<compile_context>
chip_gen: v7x
topology: tpu7x:2x2x1
jax: 0.10.2.dev20260603
libtpu: 0.0.44.dev20260713+nightly
codegen_flags: <defaults>
</compile_context>

<pallas_src>
import functools

import jax
import jax.numpy as jnp
from jax import lax
from jax.experimental import pallas as pl
from jax.experimental.pallas import tpu as pltpu
from jax.experimental.pallas import tpu_sc as plsc

_NC = 2
_NS = 16
_NW = _NC * _NS
_LANE = 128


@functools.partial(jax.jit, static_argnums=(2, 3))
def _sc_gather(idx, table, chunks, batch_pad):
    mesh = plsc.VectorSubcoreMesh(core_axis_name="c", subcore_axis_name="s")

    @functools.partial(
        pl.kernel,
        out_type=jax.ShapeDtypeStruct((_NW, chunks, _LANE), jnp.float32),
        mesh=mesh,
        scratch_types=[
            pltpu.VMEM((chunks, _LANE), jnp.int32),
            pltpu.VMEM((chunks, _LANE), jnp.float32),
            pltpu.SemaphoreType.DMA((chunks,)),
            pltpu.SemaphoreType.DMA,
        ],
    )
    def run(idx_hbm, table_hbm, out_hbm, idx_v, rows_v, gsems, osem):
        wid = lax.axis_index("s") * _NC + lax.axis_index("c")
        pltpu.sync_copy(idx_hbm.at[wid], idx_v)
        gathers = [
            pltpu.async_copy(table_hbm.at[idx_v.at[j]], rows_v.at[j], gsems.at[j])
            for j in range(chunks)
        ]
        outs = []
        for j in range(chunks):
            gathers[j].wait()
            outs.append(pltpu.async_copy(rows_v.at[j], out_hbm.at[wid].at[j], osem))
        for cp in outs:
            cp.wait()

    return run(idx, table)


def kernel(inputs, weight):
    batch = inputs.shape[0]
    table = weight.reshape(-1)
    per_w = -(-batch // _NW)
    chunks = -(-per_w // _LANE)
    batch_pad = _NW * chunks * _LANE
    idx = inputs.astype(jnp.int32)
    if batch_pad != batch:
        idx = jnp.pad(idx, (0, batch_pad - batch))
    idx = idx.reshape(_NW, chunks, _LANE)
    out = _sc_gather(idx, table, chunks, batch_pad)
    return out.reshape(batch_pad, 1)[:batch]

# --- scband reference (transcript-rebuilt; emitter-appended) ---
"""Pipeline reference for scband-bias-feature-10273561772468 (READ-ONLY COPY).

The authoritative reference and input builder live on the scoring server;
editing this copy changes nothing except your own understanding.
"""

import jax, jax.numpy as jnp
import numpy as np

BIAS_SIZE = 1000000
BATCH = 16384

def setup_inputs(seed: int = 0) -> dict:
    key = jax.random.key(seed)
    k1, _ = jax.random.split(key)
    inputs = jax.random.randint(k1, (BATCH,), 0, BIAS_SIZE, dtype=jnp.int64 if jax.config.jax_enable_x64 else jnp.int32)
    # Embedding weight is zero-initialized in the original module
    weight = jnp.zeros((BIAS_SIZE, 1), dtype=jnp.float32)
    return {"inputs": inputs, "weight": weight}

def reference(inputs, weight):
    # torch.nn.Embedding lookup: gather rows of the table
    return jnp.take(weight, inputs, axis=0)

if __name__ == "__main__":
    import jax
    _d = setup_inputs()
    print(jax.jit(kernel)(*tuple(_d.values())))

</pallas_src>

<mosaic_0001>
#map = affine_map<(d0, d1) -> (0, 0, 0)>
#map1 = affine_map<(d0, d1) -> (0)>
module attributes {stable_mosaic.version = 14 : i64} {
  func.func @run(%arg0: i32, %arg1: i32, %arg2: memref<32x4x128xi32, #tpu.memory_space<hbm>>, %arg3: memref<1000000xf32, #tpu.memory_space<hbm>>, %arg4: memref<32x4x128xf32, #tpu.memory_space<hbm>>, %arg5: memref<4x128xi32, #tpu.memory_space<vmem>>, %arg6: memref<4x128xf32, #tpu.memory_space<vmem>>, %arg7: memref<4x!tpu.dma_semaphore, #tpu.memory_space<semaphore_mem>>, %arg8: memref<!tpu.dma_semaphore, #tpu.memory_space<semaphore_mem>>) attributes {dimension_semantics = [#tpu.dimension_semantics<core_parallel>, #tpu.dimension_semantics<subcore_parallel>], iteration_bounds = array<i64: 2, 16>, scalar_prefetch = 0 : i64, scratch_operands = 4 : i64, tpu.core_type = #tpu.core_type<sc_vector_subcore>, window_params = [{transform_indices = #map}, {transform_indices = #map1}, {transform_indices = #map}]} {
    %mul3A = arith.constant 2 : i32
    %mul3A_0 = arith.muli %arg1, %mul3A : i32
    %add3A = arith.addi %mul3A_0, %arg0 : i32
    "tpu.region"() ({
      %run_scoped3A = tpu.sem_alloc : memref<!tpu.dma_semaphore, #tpu.memory_space<semaphore_mem>>
      %dma_start3A_279 = arith.constant 0 : i32
      %dma_start3A_280 = arith.constant 0 : i32
      %dma_start3A_281 = tpu.memref_slice %arg2[%add3A, %dma_start3A_279, %dma_start3A_280] : memref<32x4x128xi32, #tpu.memory_space<hbm>> -> memref<1x4x128xi32, #tpu.memory_space<hbm>>
      %dma_start3A_282 = tpu.memref_squeeze %dma_start3A_281 : memref<1x4x128xi32, #tpu.memory_space<hbm>> -> memref<4x128xi32, #tpu.memory_space<hbm>>
      %dma_start3A_283 = arith.constant 0 : i32
      %dma_start3A_284 = arith.constant 0 : i32
      %dma_start3A_285 = tpu.memref_slice %arg2[%add3A, %dma_start3A_283, %dma_start3A_284] : memref<32x4x128xi32, #tpu.memory_space<hbm>> -> memref<1x4x128xi32, #tpu.memory_space<hbm>>
      %dma_start3A_286 = tpu.memref_squeeze %dma_start3A_285 : memref<1x4x128xi32, #tpu.memory_space<hbm>> -> memref<4x128xi32, #tpu.memory_space<hbm>>
      tpu.enqueue_dma source(%dma_start3A_286 : memref<4x128xi32, #tpu.memory_space<hbm>>) target(%arg5 : memref<4x128xi32, #tpu.memory_space<vmem>>) target_semaphore(%run_scoped3A : memref<!tpu.dma_semaphore, #tpu.memory_space<semaphore_mem>>)
      %dma_wait3A_287 = arith.constant 0 : i32
      %dma_wait3A_288 = arith.constant 0 : i32
      %dma_wait3A_289 = tpu.memref_slice %arg2[%add3A, %dma_wait3A_287, %dma_wait3A_288] : memref<32x4x128xi32, #tpu.memory_space<hbm>> -> memref<1x4x128xi32, #tpu.memory_space<hbm>>
      %dma_wait3A_290 = tpu.memref_squeeze %dma_wait3A_289 : memref<1x4x128xi32, #tpu.memory_space<hbm>> -> memref<4x128xi32, #tpu.memory_space<hbm>>
      %dma_wait3A_291 = arith.constant 0 : i32
      %dma_wait3A_292 = arith.constant 0 : i32
      %dma_wait3A_293 = tpu.memref_slice %arg2[%add3A, %dma_wait3A_291, %dma_wait3A_292] : memref<32x4x128xi32, #tpu.memory_space<hbm>> -> memref<1x4x128xi32, #tpu.memory_space<hbm>>
      %dma_wait3A_294 = tpu.memref_squeeze %dma_wait3A_293 : memref<1x4x128xi32, #tpu.memory_space<hbm>> -> memref<4x128xi32, #tpu.memory_space<hbm>>
      tpu.wait_dma2 semaphore(%run_scoped3A : memref<!tpu.dma_semaphore, #tpu.memory_space<semaphore_mem>>) src(%dma_wait3A_294 : memref<4x128xi32, #tpu.memory_space<hbm>>) dst(%arg5 : memref<4x128xi32, #tpu.memory_space<vmem>>)
      tpu.yield
    }) : () -> ()
    %dma_start3A = arith.constant 0 : i32
    %dma_start3A_1 = arith.constant 0 : i32
    %dma_start3A_2 = arith.constant 0 : i32
    %dma_start3A_3 = arith.constant 0 : i32
    %dma_start3A_4 = tpu.memref_slice %arg6[%dma_start3A_1, %dma_start3A_3] : memref<4x128xf32, #tpu.memory_space<vmem>> -> memref<1x128xf32, #tpu.memory_space<vmem>>
    %dma_start3A_5 = tpu.memref_squeeze %dma_start3A_4 : memref<1x128xf32, #tpu.memory_space<vmem>> -> memref<128xf32, #tpu.memory_space<vmem>>
    %dma_start3A_6 = arith.constant 0 : i32
    %dma_start3A_7 = tpu.memref_slice %arg5[%dma_start3A, %dma_start3A_6] : memref<4x128xi32, #tpu.memory_space<vmem>> -> memref<1x128xi32, #tpu.memory_space<vmem>>
    %dma_start3A_8 = tpu.memref_squeeze %dma_start3A_7 : memref<1x128xi32, #tpu.memory_space<vmem>> -> memref<128xi32, #tpu.memory_space<vmem>>
    %dma_start3A_9 = arith.constant 0 : i32
    %dma_start3A_10 = tpu.memref_slice %arg3[%dma_start3A_9] : memref<1000000xf32, #tpu.memory_space<hbm>> -> memref<1000000xf32, #tpu.memory_space<hbm>>
    %dma_start3A_11 = tpu.memref_slice %arg7[%dma_start3A_2] : memref<4x!tpu.dma_semaphore, #tpu.memory_space<semaphore_mem>> -> memref<1x!tpu.dma_semaphore, #tpu.memory_space<semaphore_mem>>
    %dma_start3A_12 = tpu.memref_squeeze %dma_start3A_11 : memref<1x!tpu.dma_semaphore, #tpu.memory_space<semaphore_mem>> -> memref<!tpu.dma_semaphore, #tpu.memory_space<semaphore_mem>>
    tpu.enqueue_indirect_dma source(%dma_start3A_10 : memref<1000000xf32, #tpu.memory_space<hbm>>) target(%dma_start3A_5 : memref<128xf32, #tpu.memory_space<vmem>>) offsets(%dma_start3A_8 : memref<128xi32, #tpu.memory_space<vmem>>) semaphore(%dma_start3A_12 : memref<!tpu.dma_semaphore, #tpu.memory_space<semaphore_mem>>)
    %dma_start3A_13 = arith.constant 1 : i32
    %dma_start3A_14 = arith.constant 1 : i32
    %dma_start3A_15 = arith.constant 1 : i32
    %dma_start3A_16 = arith.constant 0 : i32
    %dma_start3A_17 = tpu.memref_slice %arg6[%dma_start3A_14, %dma_start3A_16] : memref<4x128xf32, #tpu.memory_space<vmem>> -> memref<1x128xf32, #tpu.memory_space<vmem>>
    %dma_start3A_18 = tpu.memref_squeeze %dma_start3A_17 : memref<1x128xf32, #tpu.memory_space<vmem>> -> memref<128xf32, #tpu.memory_space<vmem>>
    %dma_start3A_19 = arith.constant 0 : i32
    %dma_start3A_20 = tpu.memref_slice %arg5[%dma_start3A_13, %dma_start3A_19] : memref<4x128xi32, #tpu.memory_space<vmem>> -> memref<1x128xi32, #tpu.memory_space<vmem>>
    %dma_start3A_21 = tpu.memref_squeeze %dma_start3A_20 : memref<1x128xi32, #tpu.memory_space<vmem>> -> memref<128xi32, #tpu.memory_space<vmem>>
    %dma_start3A_22 = arith.constant 0 : i32
    %dma_start3A_23 = tpu.memref_slice %arg3[%dma_start3A_22] : memref<1000000xf32, #tpu.memory_space<hbm>> -> memref<1000000xf32, #tpu.memory_space<hbm>>
    %dma_start3A_24 = tpu.memref_slice %arg7[%dma_start3A_15] : memref<4x!tpu.dma_semaphore, #tpu.memory_space<semaphore_mem>> -> memref<1x!tpu.dma_semaphore, #tpu.memory_space<semaphore_mem>>
    %dma_start3A_25 = tpu.memref_squeeze %dma_start3A_24 : memref<1x!tpu.dma_semaphore, #tpu.memory_space<semaphore_mem>> -> memref<!tpu.dma_semaphore, #tpu.memory_space<semaphore_mem>>
    tpu.enqueue_indirect_dma source(%dma_start3A_23 : memref<1000000xf32, #tpu.memory_space<hbm>>) target(%dma_start3A_18 : memref<128xf32, #tpu.memory_space<vmem>>) offsets(%dma_start3A_21 : memref<128xi32, #tpu.memory_space<vmem>>) semaphore(%dma_start3A_25 : memref<!tpu.dma_semaphore, #tpu.memory_space<semaphore_mem>>)
    %dma_start3A_26 = arith.constant 2 : i32
    %dma_start3A_27 = arith.constant 2 : i32
    %dma_start3A_28 = arith.constant 2 : i32
    %dma_start3A_29 = arith.constant 0 : i32
    %dma_start3A_30 = tpu.memref_slice %arg6[%dma_start3A_27, %dma_start3A_29] : memref<4x128xf32, #tpu.memory_space<vmem>> -> memref<1x128xf32, #tpu.memory_space<vmem>>
    %dma_start3A_31 = tpu.memref_squeeze %dma_start3A_30 : memref<1x128xf32, #tpu.memory_space<vmem>> -> memref<128xf32, #tpu.memory_space<vmem>>
    %dma_start3A_32 = arith.constant 0 : i32
    %dma_start3A_33 = tpu.memref_slice %arg5[%dma_start3A_26, %dma_start3A_32] : memref<4x128xi32, #tpu.memory_space<vmem>> -> memref<1x128xi32, #tpu.memory_space<vmem>>
    %dma_start3A_34 = tpu.memref_squeeze %dma_start3A_33 : memref<1x128xi32, #tpu.memory_space<vmem>> -> memref<128xi32, #tpu.memory_space<vmem>>
    %dma_start3A_35 = arith.constant 0 : i32
    %dma_start3A_36 = tpu.memref_slice %arg3[%dma_start3A_35] : memref<1000000xf32, #tpu.memory_space<hbm>> -> memref<1000000xf32, #tpu.memory_space<hbm>>
    %dma_start3A_37 = tpu.memref_slice %arg7[%dma_start3A_28] : memref<4x!tpu.dma_semaphore, #tpu.memory_space<semaphore_mem>> -> memref<1x!tpu.dma_semaphore, #tpu.memory_space<semaphore_mem>>
    %dma_start3A_38 = tpu.memref_squeeze %dma_start3A_37 : memref<1x!tpu.dma_semaphore, #tpu.memory_space<semaphore_mem>> -> memref<!tpu.dma_semaphore, #tpu.memory_space<semaphore_mem>>
    tpu.enqueue_indirect_dma source(%dma_start3A_36 : memref<1000000xf32, #tpu.memory_space<hbm>>) target(%dma_start3A_31 : memref<128xf32, #tpu.memory_space<vmem>>) offsets(%dma_start3A_34 : memref<128xi32, #tpu.memory_space<vmem>>) semaphore(%dma_start3A_38 : memref<!tpu.dma_semaphore, #tpu.memory_space<semaphore_mem>>)
    %dma_start3A_39 = arith.constant 3 : i32
    %dma_start3A_40 = arith.constant 3 : i32
    %dma_start3A_41 = arith.constant 3 : i32
    %dma_start3A_42 = arith.constant 0 : i32
    %dma_start3A_43 = tpu.memref_slice %arg6[%dma_start3A_40, %dma_start3A_42] : memref<4x128xf32, #tpu.memory_space<vmem>> -> memref<1x128xf32, #tpu.memory_space<vmem>>
    %dma_start3A_44 = tpu.memref_squeeze %dma_start3A_43 : memref<1x128xf32, #tpu.memory_space<vmem>> -> memref<128xf32, #tpu.memory_space<vmem>>
    %dma_start3A_45 = arith.constant 0 : i32
    %dma_start3A_46 = tpu.memref_slice %arg5[%dma_start3A_39, %dma_start3A_45] : memref<4x128xi32, #tpu.memory_space<vmem>> -> memref<1x128xi32, #tpu.memory_space<vmem>>
    %dma_start3A_47 = tpu.memref_squeeze %dma_start3A_46 : memref<1x128xi32, #tpu.memory_space<vmem>> -> memref<128xi32, #tpu.memory_space<vmem>>
    %dma_start3A_48 = arith.constant 0 : i32
    %dma_start3A_49 = tpu.memref_slice %arg3[%dma_start3A_48] : memref<1000000xf32, #tpu.memory_space<hbm>> -> memref<1000000xf32, #tpu.memory_space<hbm>>
    %dma_start3A_50 = tpu.memref_slice %arg7[%dma_start3A_41] : memref<4x!tpu.dma_semaphore, #tpu.memory_space<semaphore_mem>> -> memref<1x!tpu.dma_semaphore, #tpu.memory_space<semaphore_mem>>
    %dma_start3A_51 = tpu.memref_squeeze %dma_start3A_50 : memref<1x!tpu.dma_semaphore, #tpu.memory_space<semaphore_mem>> -> memref<!tpu.dma_semaphore, #tpu.memory_space<semaphore_mem>>
    tpu.enqueue_indirect_dma source(%dma_start3A_49 : memref<1000000xf32, #tpu.memory_space<hbm>>) target(%dma_start3A_44 : memref<128xf32, #tpu.memory_space<vmem>>) offsets(%dma_start3A_47 : memref<128xi32, #tpu.memory_space<vmem>>) semaphore(%dma_start3A_51 : memref<!tpu.dma_semaphore, #tpu.memory_space<semaphore_mem>>)
    %dma_wait3A = arith.constant 0 : i32
    %dma_wait3A_52 = arith.constant 0 : i32
    %dma_wait3A_53 = arith.constant 0 : i32
    %dma_wait3A_54 = arith.constant 0 : i32
    %dma_wait3A_55 = tpu.memref_slice %arg6[%dma_wait3A_52, %dma_wait3A_54] : memref<4x128xf32, #tpu.memory_space<vmem>> -> memref<1x128xf32, #tpu.memory_space<vmem>>
    %dma_wait3A_56 = tpu.memref_squeeze %dma_wait3A_55 : memref<1x128xf32, #tpu.memory_space<vmem>> -> memref<128xf32, #tpu.memory_space<vmem>>
    %dma_wait3A_57 = arith.constant 0 : i32
    %dma_wait3A_58 = tpu.memref_slice %arg5[%dma_wait3A, %dma_wait3A_57] : memref<4x128xi32, #tpu.memory_space<vmem>> -> memref<1x128xi32, #tpu.memory_space<vmem>>
    %dma_wait3A_59 = tpu.memref_squeeze %dma_wait3A_58 : memref<1x128xi32, #tpu.memory_space<vmem>> -> memref<128xi32, #tpu.memory_space<vmem>>
    %dma_wait3A_60 = arith.constant 0 : i32
    %dma_wait3A_61 = tpu.memref_slice %arg3[%dma_wait3A_60] : memref<1000000xf32, #tpu.memory_space<hbm>> -> memref<1000000xf32, #tpu.memory_space<hbm>>
    %dma_wait3A_62 = tpu.memref_slice %arg7[%dma_wait3A_53] : memref<4x!tpu.dma_semaphore, #tpu.memory_space<semaphore_mem>> -> memref<1x!tpu.dma_semaphore, #tpu.memory_space<semaphore_mem>>
    %dma_wait3A_63 = tpu.memref_squeeze %dma_wait3A_62 : memref<1x!tpu.dma_semaphore, #tpu.memory_space<semaphore_mem>> -> memref<!tpu.dma_semaphore, #tpu.memory_space<semaphore_mem>>
    tpu.wait_indirect_dma semaphore(%dma_wait3A_63 : memref<!tpu.dma_semaphore, #tpu.memory_space<semaphore_mem>>) src(%dma_wait3A_61 : memref<1000000xf32, #tpu.memory_space<hbm>>) dst(%dma_wait3A_56 : memref<128xf32, #tpu.memory_space<vmem>>)
    %dma_start3A_64 = arith.constant 0 : i32
    %dma_start3A_65 = arith.constant 0 : i32
    %dma_start3A_66 = arith.constant 0 : i32
    %dma_start3A_67 = tpu.memref_slice %arg6[%dma_start3A_64, %dma_start3A_66] : memref<4x128xf32, #tpu.memory_space<vmem>> -> memref<1x128xf32, #tpu.memory_space<vmem>>
    %dma_start3A_68 = tpu.memref_squeeze %dma_start3A_67 : memref<1x128xf32, #tpu.memory_space<vmem>> -> memref<128xf32, #tpu.memory_space<vmem>>
    %dma_start3A_69 = arith.constant 0 : i32
    %dma_start3A_70 = arith.constant 0 : i32
    %dma_start3A_71 = tpu.memref_slice %arg4[%add3A, %dma_start3A_69, %dma_start3A_70] : memref<32x4x128xf32, #tpu.memory_space<hbm>> -> memref<1x4x128xf32, #tpu.memory_space<hbm>>
    %dma_start3A_72 = tpu.memref_squeeze %dma_start3A_71 : memref<1x4x128xf32, #tpu.memory_space<hbm>> -> memref<4x128xf32, #tpu.memory_space<hbm>>
    %dma_start3A_73 = arith.constant 0 : i32
    %dma_start3A_74 = tpu.memref_slice %dma_start3A_72[%dma_start3A_65, %dma_start3A_73] : memref<4x128xf32, #tpu.memory_space<hbm>> -> memref<1x128xf32, #tpu.memory_space<hbm>>
    %dma_start3A_75 = tpu.memref_squeeze %dma_start3A_74 : memref<1x128xf32, #tpu.memory_space<hbm>> -> memref<128xf32, #tpu.memory_space<hbm>>
    %dma_start3A_76 = arith.constant 0 : i32
    %dma_start3A_77 = arith.constant 0 : i32
    %dma_start3A_78 = tpu.memref_slice %arg4[%add3A, %dma_start3A_76, %dma_start3A_77] : memref<32x4x128xf32, #tpu.memory_space<hbm>> -> memref<1x4x128xf32, #tpu.memory_space<hbm>>
    %dma_start3A_79 = tpu.memref_squeeze %dma_start3A_78 : memref<1x4x128xf32, #tpu.memory_space<hbm>> -> memref<4x128xf32, #tpu.memory_space<hbm>>
    %dma_start3A_80 = arith.constant 0 : i32
    %dma_start3A_81 = tpu.memref_slice %dma_start3A_79[%dma_start3A_65, %dma_start3A_80] : memref<4x128xf32, #tpu.memory_space<hbm>> -> memref<1x128xf32, #tpu.memory_space<hbm>>
    %dma_start3A_82 = tpu.memref_squeeze %dma_start3A_81 : memref<1x128xf32, #tpu.memory_space<hbm>> -> memref<128xf32, #tpu.memory_space<hbm>>
    %dma_start3A_83 = arith.constant 0 : i32
    %dma_start3A_84 = tpu.memref_slice %arg6[%dma_start3A_64, %dma_start3A_83] : memref<4x128xf32, #tpu.memory_space<vmem>> -> memref<1x128xf32, #tpu.memory_space<vmem>>
    %dma_start3A_85 = tpu.memref_squeeze %dma_start3A_84 : memref<1x128xf32, #tpu.memory_space<vmem>> -> memref<128xf32, #tpu.memory_space<vmem>>
    tpu.enqueue_dma source(%dma_start3A_85 : memref<128xf32, #tpu.memory_space<vmem>>) target(%dma_start3A_82 : memref<128xf32, #tpu.memory_space<hbm>>) target_semaphore(%arg8 : memref<!tpu.dma_semaphore, #tpu.memory_space<semaphore_mem>>)
    %dma_wait3A_86 = arith.constant 1 : i32
    %dma_wait3A_87 = arith.constant 1 : i32
    %dma_wait3A_88 = arith.constant 1 : i32
    %dma_wait3A_89 = arith.constant 0 : i32
    %dma_wait3A_90 = tpu.memref_slice %arg6[%dma_wait3A_87, %dma_wait3A_89] : memref<4x128xf32, #tpu.memory_space<vmem>> -> memref<1x128xf32, #tpu.memory_space<vmem>>
    %dma_wait3A_91 = tpu.memref_squeeze %dma_wait3A_90 : memref<1x128xf32, #tpu.memory_space<vmem>> -> memref<128xf32, #tpu.memory_space<vmem>>
    %dma_wait3A_92 = arith.constant 0 : i32
    %dma_wait3A_93 = tpu.memref_slice %arg5[%dma_wait3A_86, %dma_wait3A_92] : memref<4x128xi32, #tpu.memory_space<vmem>> -> memref<1x128xi32, #tpu.memory_space<vmem>>
    %dma_wait3A_94 = tpu.memref_squeeze %dma_wait3A_93 : memref<1x128xi32, #tpu.memory_space<vmem>> -> memref<128xi32, #tpu.memory_space<vmem>>
    %dma_wait3A_95 = arith.constant 0 : i32
    %dma_wait3A_96 = tpu.memref_slice %arg3[%dma_wait3A_95] : memref<1000000xf32, #tpu.memory_space<hbm>> -> memref<1000000xf32, #tpu.memory_space<hbm>>
    %dma_wait3A_97 = tpu.memref_slice %arg7[%dma_wait3A_88] : memref<4x!tpu.dma_semaphore, #tpu.memory_space<semaphore_mem>> -> memref<1x!tpu.dma_semaphore, #tpu.memory_space<semaphore_mem>>
    %dma_wait3A_98 = tpu.memref_squeeze %dma_wait3A_97 : memref<1x!tpu.dma_semaphore, #tpu.memory_space<semaphore_mem>> -> memref<!tpu.dma_semaphore, #tpu.memory_space<semaphore_mem>>
    tpu.wait_indirect_dma semaphore(%dma_wait3A_98 : memref<!tpu.dma_semaphore, #tpu.memory_space<semaphore_mem>>) src(%dma_wait3A_96 : memref<1000000xf32, #tpu.memory_space<hbm>>) dst(%dma_wait3A_91 : memref<128xf32, #tpu.memory_space<vmem>>)
    %dma_start3A_99 = arith.constant 1 : i32
    %dma_start3A_100 = arith.constant 1 : i32
    %dma_start3A_101 = arith.constant 0 : i32
    %dma_start3A_102 = tpu.memref_slice %arg6[%dma_start3A_99, %dma_start3A_101] : memref<4x128xf32, #tpu.memory_space<vmem>> -> memref<1x128xf32, #tpu.memory_space<vmem>>
    %dma_start3A_103 = tpu.memref_squeeze %dma_start3A_102 : memref<1x128xf32, #tpu.memory_space<vmem>> -> memref<128xf32, #tpu.memory_space<vmem>>
    %dma_start3A_104 = arith.constant 0 : i32
    %dma_start3A_105 = arith.constant 0 : i32
    %dma_start3A_106 = tpu.memref_slice %arg4[%add3A, %dma_start3A_104, %dma_start3A_105] : memref<32x4x128xf32, #tpu.memory_space<hbm>> -> memref<1x4x128xf32, #tpu.memory_space<hbm>>
    %dma_start3A_107 = tpu.memref_squeeze %dma_start3A_106 : memref<1x4x128xf32, #tpu.memory_space<hbm>> -> memref<4x128xf32, #tpu.memory_space<hbm>>
    %dma_start3A_108 = arith.constant 0 : i32
    %dma_start3A_109 = tpu.memref_slice %dma_start3A_107[%dma_start3A_100, %dma_start3A_108] : memref<4x128xf32, #tpu.memory_space<hbm>> -> memref<1x128xf32, #tpu.memory_space<hbm>>
    %dma_start3A_110 = tpu.memref_squeeze %dma_start3A_109 : memref<1x128xf32, #tpu.memory_space<hbm>> -> memref<128xf32, #tpu.memory_space<hbm>>
    %dma_start3A_111 = arith.constant 0 : i32
    %dma_start3A_112 = arith.constant 0 : i32
    %dma_start3A_113 = tpu.memref_slice %arg4[%add3A, %dma_start3A_111, %dma_start3A_112] : memref<32x4x128xf32, #tpu.memory_space<hbm>> -> memref<1x4x128xf32, #tpu.memory_space<hbm>>
    %dma_start3A_114 = tpu.memref_squeeze %dma_start3A_113 : memref<1x4x128xf32, #tpu.memory_space<hbm>> -> memref<4x128xf32, #tpu.memory_space<hbm>>
    %dma_start3A_115 = arith.constant 0 : i32
    %dma_start3A_116 = tpu.memref_slice %dma_start3A_114[%dma_start3A_100, %dma_start3A_115] : memref<4x128xf32, #tpu.memory_space<hbm>> -> memref<1x128xf32, #tpu.memory_space<hbm>>
    %dma_start3A_117 = tpu.memref_squeeze %dma_start3A_116 : memref<1x128xf32, #tpu.memory_space<hbm>> -> memref<128xf32, #tpu.memory_space<hbm>>
    %dma_start3A_118 = arith.constant 0 : i32
    %dma_start3A_119 = tpu.memref_slice %arg6[%dma_start3A_99, %dma_start3A_118] : memref<4x128xf32, #tpu.memory_space<vmem>> -> memref<1x128xf32, #tpu.memory_space<vmem>>
    %dma_start3A_120 = tpu.memref_squeeze %dma_start3A_119 : memref<1x128xf32, #tpu.memory_space<vmem>> -> memref<128xf32, #tpu.memory_space<vmem>>
    tpu.enqueue_dma source(%dma_start3A_120 : memref<128xf32, #tpu.memory_space<vmem>>) target(%dma_start3A_117 : memref<128xf32, #tpu.memory_space<hbm>>) target_semaphore(%arg8 : memref<!tpu.dma_semaphore, #tpu.memory_space<semaphore_mem>>)
    %dma_wait3A_121 = arith.constant 2 : i32
    %dma_wait3A_122 = arith.constant 2 : i32
    %dma_wait3A_123 = arith.constant 2 : i32
    %dma_wait3A_124 = arith.constant 0 : i32
    %dma_wait3A_125 = tpu.memref_slice %arg6[%dma_wait3A_122, %dma_wait3A_124] : memref<4x128xf32, #tpu.memory_space<vmem>> -> memref<1x128xf32, #tpu.memory_space<vmem>>
    %dma_wait3A_126 = tpu.memref_squeeze %dma_wait3A_125 : memref<1x128xf32, #tpu.memory_space<vmem>> -> memref<128xf32, #tpu.memory_space<vmem>>
    %dma_wait3A_127 = arith.constant 0 : i32
    %dma_wait3A_128 = tpu.memref_slice %arg5[%dma_wait3A_121, %dma_wait3A_127] : memref<4x128xi32, #tpu.memory_space<vmem>> -> memref<1x128xi32, #tpu.memory_space<vmem>>
    %dma_wait3A_129 = tpu.memref_squeeze %dma_wait3A_128 : memref<1x128xi32, #tpu.memory_space<vmem>> -> memref<128xi32, #tpu.memory_space<vmem>>
    %dma_wait3A_130 = arith.constant 0 : i32
    %dma_wait3A_131 = tpu.memref_slice %arg3[%dma_wait3A_130] : memref<1000000xf32, #tpu.memory_space<hbm>> -> memref<1000000xf32, #tpu.memory_space<hbm>>
    %dma_wait3A_132 = tpu.memref_slice %arg7[%dma_wait3A_123] : memref<4x!tpu.dma_semaphore, #tpu.memory_space<semaphore_mem>> -> memref<1x!tpu.dma_semaphore, #tpu.memory_space<semaphore_mem>>
    %dma_wait3A_133 = tpu.memref_squeeze %dma_wait3A_132 : memref<1x!tpu.dma_semaphore, #tpu.memory_space<semaphore_mem>> -> memref<!tpu.dma_semaphore, #tpu.memory_space<semaphore_mem>>
    tpu.wait_indirect_dma semaphore(%dma_wait3A_133 : memref<!tpu.dma_semaphore, #tpu.memory_space<semaphore_mem>>) src(%dma_wait3A_131 : memref<1000000xf32, #tpu.memory_space<hbm>>) dst(%dma_wait3A_126 : memref<128xf32, #tpu.memory_space<vmem>>)
    %dma_start3A_134 = arith.constant 2 : i32
    %dma_start3A_135 = arith.constant 2 : i32
    %dma_start3A_136 = arith.constant 0 : i32
    %dma_start3A_137 = tpu.memref_slice %arg6[%dma_start3A_134, %dma_start3A_136] : memref<4x128xf32, #tpu.memory_space<vmem>> -> memref<1x128xf32, #tpu.memory_space<vmem>>
    %dma_start3A_138 = tpu.memref_squeeze %dma_start3A_137 : memref<1x128xf32, #tpu.memory_space<vmem>> -> memref<128xf32, #tpu.memory_space<vmem>>
    %dma_start3A_139 = arith.constant 0 : i32
    %dma_start3A_140 = arith.constant 0 : i32
    %dma_start3A_141 = tpu.memref_slice %arg4[%add3A, %dma_start3A_139, %dma_start3A_140] : memref<32x4x128xf32, #tpu.memory_space<hbm>> -> memref<1x4x128xf32, #tpu.memory_space<hbm>>
    %dma_start3A_142 = tpu.memref_squeeze %dma_start3A_141 : memref<1x4x128xf32, #tpu.memory_space<hbm>> -> memref<4x128xf32, #tpu.memory_space<hbm>>
    %dma_start3A_143 = arith.constant 0 : i32
    %dma_start3A_144 = tpu.memref_slice %dma_start3A_142[%dma_start3A_135, %dma_start3A_143] : memref<4x128xf32, #tpu.memory_space<hbm>> -> memref<1x128xf32, #tpu.memory_space<hbm>>
    %dma_start3A_145 = tpu.memref_squeeze %dma_start3A_144 : memref<1x128xf32, #tpu.memory_space<hbm>> -> memref<128xf32, #tpu.memory_space<hbm>>
    %dma_start3A_146 = arith.constant 0 : i32
    %dma_start3A_147 = arith.constant 0 : i32
    %dma_start3A_148 = tpu.memref_slice %arg4[%add3A, %dma_start3A_146, %dma_start3A_147] : memref<32x4x128xf32, #tpu.memory_space<hbm>> -> memref<1x4x128xf32, #tpu.memory_space<hbm>>
    %dma_start3A_149 = tpu.memref_squeeze %dma_start3A_148 : memref<1x4x128xf32, #tpu.memory_space<hbm>> -> memref<4x128xf32, #tpu.memory_space<hbm>>
    %dma_start3A_150 = arith.constant 0 : i32
    %dma_start3A_151 = tpu.memref_slice %dma_start3A_149[%dma_start3A_135, %dma_start3A_150] : memref<4x128xf32, #tpu.memory_space<hbm>> -> memref<1x128xf32, #tpu.memory_space<hbm>>
    %dma_start3A_152 = tpu.memref_squeeze %dma_start3A_151 : memref<1x128xf32, #tpu.memory_space<hbm>> -> memref<128xf32, #tpu.memory_space<hbm>>
    %dma_start3A_153 = arith.constant 0 : i32
    %dma_start3A_154 = tpu.memref_slice %arg6[%dma_start3A_134, %dma_start3A_153] : memref<4x128xf32, #tpu.memory_space<vmem>> -> memref<1x128xf32, #tpu.memory_space<vmem>>
    %dma_start3A_155 = tpu.memref_squeeze %dma_start3A_154 : memref<1x128xf32, #tpu.memory_space<vmem>> -> memref<128xf32, #tpu.memory_space<vmem>>
    tpu.enqueue_dma source(%dma_start3A_155 : memref<128xf32, #tpu.memory_space<vmem>>) target(%dma_start3A_152 : memref<128xf32, #tpu.memory_space<hbm>>) target_semaphore(%arg8 : memref<!tpu.dma_semaphore, #tpu.memory_space<semaphore_mem>>)
    %dma_wait3A_156 = arith.constant 3 : i32
    %dma_wait3A_157 = arith.constant 3 : i32
    %dma_wait3A_158 = arith.constant 3 : i32
    %dma_wait3A_159 = arith.constant 0 : i32
    %dma_wait3A_160 = tpu.memref_slice %arg6[%dma_wait3A_157, %dma_wait3A_159] : memref<4x128xf32, #tpu.memory_space<vmem>> -> memref<1x128xf32, #tpu.memory_space<vmem>>
    %dma_wait3A_161 = tpu.memref_squeeze %dma_wait3A_160 : memref<1x128xf32, #tpu.memory_space<vmem>> -> memref<128xf32, #tpu.memory_space<vmem>>
    %dma_wait3A_162 = arith.constant 0 : i32
    %dma_wait3A_163 = tpu.memref_slice %arg5[%dma_wait3A_156, %dma_wait3A_162] : memref<4x128xi32, #tpu.memory_space<vmem>> -> memref<1x128xi32, #tpu.memory_space<vmem>>
    %dma_wait3A_164 = tpu.memref_squeeze %dma_wait3A_163 : memref<1x128xi32, #tpu.memory_space<vmem>> -> memref<128xi32, #tpu.memory_space<vmem>>
    %dma_wait3A_165 = arith.constant 0 : i32
    %dma_wait3A_166 = tpu.memref_slice %arg3[%dma_wait3A_165] : memref<1000000xf32, #tpu.memory_space<hbm>> -> memref<1000000xf32, #tpu.memory_space<hbm>>
    %dma_wait3A_167 = tpu.memref_slice %arg7[%dma_wait3A_158] : memref<4x!tpu.dma_semaphore, #tpu.memory_space<semaphore_mem>> -> memref<1x!tpu.dma_semaphore, #tpu.memory_space<semaphore_mem>>
    %dma_wait3A_168 = tpu.memref_squeeze %dma_wait3A_167 : memref<1x!tpu.dma_semaphore, #tpu.memory_space<semaphore_mem>> -> memref<!tpu.dma_semaphore, #tpu.memory_space<semaphore_mem>>
    tpu.wait_indirect_dma semaphore(%dma_wait3A_168 : memref<!tpu.dma_semaphore, #tpu.memory_space<semaphore_mem>>) src(%dma_wait3A_166 : memref<1000000xf32, #tpu.memory_space<hbm>>) dst(%dma_wait3A_161 : memref<128xf32, #tpu.memory_space<vmem>>)
    %dma_start3A_169 = arith.constant 3 : i32
    %dma_start3A_170 = arith.constant 3 : i32
    %dma_start3A_171 = arith.constant 0 : i32
    %dma_start3A_172 = tpu.memref_slice %arg6[%dma_start3A_169, %dma_start3A_171] : memref<4x128xf32, #tpu.memory_space<vmem>> -> memref<1x128xf32, #tpu.memory_space<vmem>>
    %dma_start3A_173 = tpu.memref_squeeze %dma_start3A_172 : memref<1x128xf32, #tpu.memory_space<vmem>> -> memref<128xf32, #tpu.memory_space<vmem>>
    %dma_start3A_174 = arith.constant 0 : i32
    %dma_start3A_175 = arith.constant 0 : i32
    %dma_start3A_176 = tpu.memref_slice %arg4[%add3A, %dma_start3A_174, %dma_start3A_175] : memref<32x4x128xf32, #tpu.memory_space<hbm>> -> memref<1x4x128xf32, #tpu.memory_space<hbm>>
    %dma_start3A_177 = tpu.memref_squeeze %dma_start3A_176 : memref<1x4x128xf32, #tpu.memory_space<hbm>> -> memref<4x128xf32, #tpu.memory_space<hbm>>
    %dma_start3A_178 = arith.constant 0 : i32
    %dma_start3A_179 = tpu.memref_slice %dma_start3A_177[%dma_start3A_170, %dma_start3A_178] : memref<4x128xf32, #tpu.memory_space<hbm>> -> memref<1x128xf32, #tpu.memory_space<hbm>>
    %dma_start3A_180 = tpu.memref_squeeze %dma_start3A_179 : memref<1x128xf32, #tpu.memory_space<hbm>> -> memref<128xf32, #tpu.memory_space<hbm>>
    %dma_start3A_181 = arith.constant 0 : i32
    %dma_start3A_182 = arith.constant 0 : i32
    %dma_start3A_183 = tpu.memref_slice %arg4[%add3A, %dma_start3A_181, %dma_start3A_182] : memref<32x4x128xf32, #tpu.memory_space<hbm>> -> memref<1x4x128xf32, #tpu.memory_space<hbm>>
    %dma_start3A_184 = tpu.memref_squeeze %dma_start3A_183 : memref<1x4x128xf32, #tpu.memory_space<hbm>> -> memref<4x128xf32, #tpu.memory_space<hbm>>
    %dma_start3A_185 = arith.constant 0 : i32
    %dma_start3A_186 = tpu.memref_slice %dma_start3A_184[%dma_start3A_170, %dma_start3A_185] : memref<4x128xf32, #tpu.memory_space<hbm>> -> memref<1x128xf32, #tpu.memory_space<hbm>>
    %dma_start3A_187 = tpu.memref_squeeze %dma_start3A_186 : memref<1x128xf32, #tpu.memory_space<hbm>> -> memref<128xf32, #tpu.memory_space<hbm>>
    %dma_start3A_188 = arith.constant 0 : i32
    %dma_start3A_189 = tpu.memref_slice %arg6[%dma_start3A_169, %dma_start3A_188] : memref<4x128xf32, #tpu.memory_space<vmem>> -> memref<1x128xf32, #tpu.memory_space<vmem>>
    %dma_start3A_190 = tpu.memref_squeeze %dma_start3A_189 : memref<1x128xf32, #tpu.memory_space<vmem>> -> memref<128xf32, #tpu.memory_space<vmem>>
    tpu.enqueue_dma source(%dma_start3A_190 : memref<128xf32, #tpu.memory_space<vmem>>) target(%dma_start3A_187 : memref<128xf32, #tpu.memory_space<hbm>>) target_semaphore(%arg8 : memref<!tpu.dma_semaphore, #tpu.memory_space<semaphore_mem>>)
    %dma_wait3A_191 = arith.constant 0 : i32
    %dma_wait3A_192 = arith.constant 0 : i32
    %dma_wait3A_193 = arith.constant 0 : i32
    %dma_wait3A_194 = tpu.memref_slice %arg6[%dma_wait3A_191, %dma_wait3A_193] : memref<4x128xf32, #tpu.memory_space<vmem>> -> memref<1x128xf32, #tpu.memory_space<vmem>>
    %dma_wait3A_195 = tpu.memref_squeeze %dma_wait3A_194 : memref<1x128xf32, #tpu.memory_space<vmem>> -> memref<128xf32, #tpu.memory_space<vmem>>
    %dma_wait3A_196 = arith.constant 0 : i32
    %dma_wait3A_197 = arith.constant 0 : i32
    %dma_wait3A_198 = tpu.memref_slice %arg4[%add3A, %dma_wait3A_196, %dma_wait3A_197] : memref<32x4x128xf32, #tpu.memory_space<hbm>> -> memref<1x4x128xf32, #tpu.memory_space<hbm>>
    %dma_wait3A_199 = tpu.memref_squeeze %dma_wait3A_198 : memref<1x4x128xf32, #tpu.memory_space<hbm>> -> memref<4x128xf32, #tpu.memory_space<hbm>>
    %dma_wait3A_200 = arith.constant 0 : i32
    %dma_wait3A_201 = tpu.memref_slice %dma_wait3A_199[%dma_wait3A_192, %dma_wait3A_200] : memref<4x128xf32, #tpu.memory_space<hbm>> -> memref<1x128xf32, #tpu.memory_space<hbm>>
    %dma_wait3A_202 = tpu.memref_squeeze %dma_wait3A_201 : memref<1x128xf32, #tpu.memory_space<hbm>> -> memref<128xf32, #tpu.memory_space<hbm>>
    %dma_wait3A_203 = arith.constant 0 : i32
    %dma_wait3A_204 = arith.constant 0 : i32
    %dma_wait3A_205 = tpu.memref_slice %arg4[%add3A, %dma_wait3A_203, %dma_wait3A_204] : memref<32x4x128xf32, #tpu.memory_space<hbm>> -> memref<1x4x128xf32, #tpu.memory_space<hbm>>
    %dma_wait3A_206 = tpu.memref_squeeze %dma_wait3A_205 : memref<1x4x128xf32, #tpu.memory_space<hbm>> -> memref<4x128xf32, #tpu.memory_space<hbm>>
    %dma_wait3A_207 = arith.constant 0 : i32
    %dma_wait3A_208 = tpu.memref_slice %dma_wait3A_206[%dma_wait3A_192, %dma_wait3A_207] : memref<4x128xf32, #tpu.memory_space<hbm>> -> memref<1x128xf32, #tpu.memory_space<hbm>>
    %dma_wait3A_209 = tpu.memref_squeeze %dma_wait3A_208 : memref<1x128xf32, #tpu.memory_space<hbm>> -> memref<128xf32, #tpu.memory_space<hbm>>
    %dma_wait3A_210 = arith.constant 0 : i32
    %dma_wait3A_211 = tpu.memref_slice %arg6[%dma_wait3A_191, %dma_wait3A_210] : memref<4x128xf32, #tpu.memory_space<vmem>> -> memref<1x128xf32, #tpu.memory_space<vmem>>
    %dma_wait3A_212 = tpu.memref_squeeze %dma_wait3A_211 : memref<1x128xf32, #tpu.memory_space<vmem>> -> memref<128xf32, #tpu.memory_space<vmem>>
    tpu.wait_dma2 semaphore(%arg8 : memref<!tpu.dma_semaphore, #tpu.memory_space<semaphore_mem>>) src(%dma_wait3A_212 : memref<128xf32, #tpu.memory_space<vmem>>) dst(%dma_wait3A_209 : memref<128xf32, #tpu.memory_space<hbm>>)
    %dma_wait3A_213 = arith.constant 1 : i32
    %dma_wait3A_214 = arith.constant 1 : i32
    %dma_wait3A_215 = arith.constant 0 : i32
    %dma_wait3A_216 = tpu.memref_slice %arg6[%dma_wait3A_213, %dma_wait3A_215] : memref<4x128xf32, #tpu.memory_space<vmem>> -> memref<1x128xf32, #tpu.memory_space<vmem>>
    %dma_wait3A_217 = tpu.memref_squeeze %dma_wait3A_216 : memref<1x128xf32, #tpu.memory_space<vmem>> -> memref<128xf32, #tpu.memory_space<vmem>>
    %dma_wait3A_218 = arith.constant 0 : i32
    %dma_wait3A_219 = arith.constant 0 : i32
    %dma_wait3A_220 = tpu.memref_slice %arg4[%add3A, %dma_wait3A_218, %dma_wait3A_219] : memref<32x4x128xf32, #tpu.memory_space<hbm>> -> memref<1x4x128xf32, #tpu.memory_space<hbm>>
    %dma_wait3A_221 = tpu.memref_squeeze %dma_wait3A_220 : memref<1x4x128xf32, #tpu.memory_space<hbm>> -> memref<4x128xf32, #tpu.memory_space<hbm>>
    %dma_wait3A_222 = arith.constant 0 : i32
    %dma_wait3A_223 = tpu.memref_slice %dma_wait3A_221[%dma_wait3A_214, %dma_wait3A_222] : memref<4x128xf32, #tpu.memory_space<hbm>> -> memref<1x128xf32, #tpu.memory_space<hbm>>
    %dma_wait3A_224 = tpu.memref_squeeze %dma_wait3A_223 : memref<1x128xf32, #tpu.memory_space<hbm>> -> memref<128xf32, #tpu.memory_space<hbm>>
    %dma_wait3A_225 = arith.constant 0 : i32
    %dma_wait3A_226 = arith.constant 0 : i32
    %dma_wait3A_227 = tpu.memref_slice %arg4[%add3A, %dma_wait3A_225, %dma_wait3A_226] : memref<32x4x128xf32, #tpu.memory_space<hbm>> -> memref<1x4x128xf32, #tpu.memory_space<hbm>>
    %dma_wait3A_228 = tpu.memref_squeeze %dma_wait3A_227 : memref<1x4x128xf32, #tpu.memory_space<hbm>> -> memref<4x128xf32, #tpu.memory_space<hbm>>
    %dma_wait3A_229 = arith.constant 0 : i32
    %dma_wait3A_230 = tpu.memref_slice %dma_wait3A_228[%dma_wait3A_214, %dma_wait3A_229] : memref<4x128xf32, #tpu.memory_space<hbm>> -> memref<1x128xf32, #tpu.memory_space<hbm>>
    %dma_wait3A_231 = tpu.memref_squeeze %dma_wait3A_230 : memref<1x128xf32, #tpu.memory_space<hbm>> -> memref<128xf32, #tpu.memory_space<hbm>>
    %dma_wait3A_232 = arith.constant 0 : i32
    %dma_wait3A_233 = tpu.memref_slice %arg6[%dma_wait3A_213, %dma_wait3A_232] : memref<4x128xf32, #tpu.memory_space<vmem>> -> memref<1x128xf32, #tpu.memory_space<vmem>>
    %dma_wait3A_234 = tpu.memref_squeeze %dma_wait3A_233 : memref<1x128xf32, #tpu.memory_space<vmem>> -> memref<128xf32, #tpu.memory_space<vmem>>
    tpu.wait_dma2 semaphore(%arg8 : memref<!tpu.dma_semaphore, #tpu.memory_space<semaphore_mem>>) src(%dma_wait3A_234 : memref<128xf32, #tpu.memory_space<vmem>>) dst(%dma_wait3A_231 : memref<128xf32, #tpu.memory_space<hbm>>)
    %dma_wait3A_235 = arith.constant 2 : i32
    %dma_wait3A_236 = arith.constant 2 : i32
    %dma_wait3A_237 = arith.constant 0 : i32
    %dma_wait3A_238 = tpu.memref_slice %arg6[%dma_wait3A_235, %dma_wait3A_237] : memref<4x128xf32, #tpu.memory_space<vmem>> -> memref<1x128xf32, #tpu.memory_space<vmem>>
    %dma_wait3A_239 = tpu.memref_squeeze %dma_wait3A_238 : memref<1x128xf32, #tpu.memory_space<vmem>> -> memref<128xf32, #tpu.memory_space<vmem>>
    %dma_wait3A_240 = arith.constant 0 : i32
    %dma_wait3A_241 = arith.constant 0 : i32
    %dma_wait3A_242 = tpu.memref_slice %arg4[%add3A, %dma_wait3A_240, %dma_wait3A_241] : memref<32x4x128xf32, #tpu.memory_space<hbm>> -> memref<1x4x128xf32, #tpu.memory_space<hbm>>
    %dma_wait3A_243 = tpu.memref_squeeze %dma_wait3A_242 : memref<1x4x128xf32, #tpu.memory_space<hbm>> -> memref<4x128xf32, #tpu.memory_space<hbm>>
    %dma_wait3A_244 = arith.constant 0 : i32
    %dma_wait3A_245 = tpu.memref_slice %dma_wait3A_243[%dma_wait3A_236, %dma_wait3A_244] : memref<4x128xf32, #tpu.memory_space<hbm>> -> memref<1x128xf32, #tpu.memory_space<hbm>>
    %dma_wait3A_246 = tpu.memref_squeeze %dma_wait3A_245 : memref<1x128xf32, #tpu.memory_space<hbm>> -> memref<128xf32, #tpu.memory_space<hbm>>
    %dma_wait3A_247 = arith.constant 0 : i32
    %dma_wait3A_248 = arith.constant 0 : i32
    %dma_wait3A_249 = tpu.memref_slice %arg4[%add3A, %dma_wait3A_247, %dma_wait3A_248] : memref<32x4x128xf32, #tpu.memory_space<hbm>> -> memref<1x4x128xf32, #tpu.memory_space<hbm>>
    %dma_wait3A_250 = tpu.memref_squeeze %dma_wait3A_249 : memref<1x4x128xf32, #tpu.memory_space<hbm>> -> memref<4x128xf32, #tpu.memory_space<hbm>>
    %dma_wait3A_251 = arith.constant 0 : i32
    %dma_wait3A_252 = tpu.memref_slice %dma_wait3A_250[%dma_wait3A_236, %dma_wait3A_251] : memref<4x128xf32, #tpu.memory_space<hbm>> -> memref<1x128xf32, #tpu.memory_space<hbm>>
    %dma_wait3A_253 = tpu.memref_squeeze %dma_wait3A_252 : memref<1x128xf32, #tpu.memory_space<hbm>> -> memref<128xf32, #tpu.memory_space<hbm>>
    %dma_wait3A_254 = arith.constant 0 : i32
    %dma_wait3A_255 = tpu.memref_slice %arg6[%dma_wait3A_235, %dma_wait3A_254] : memref<4x128xf32, #tpu.memory_space<vmem>> -> memref<1x128xf32, #tpu.memory_space<vmem>>
    %dma_wait3A_256 = tpu.memref_squeeze %dma_wait3A_255 : memref<1x128xf32, #tpu.memory_space<vmem>> -> memref<128xf32, #tpu.memory_space<vmem>>
    tpu.wait_dma2 semaphore(%arg8 : memref<!tpu.dma_semaphore, #tpu.memory_space<semaphore_mem>>) src(%dma_wait3A_256 : memref<128xf32, #tpu.memory_space<vmem>>) dst(%dma_wait3A_253 : memref<128xf32, #tpu.memory_space<hbm>>)
    %dma_wait3A_257 = arith.constant 3 : i32
    %dma_wait3A_258 = arith.constant 3 : i32
    %dma_wait3A_259 = arith.constant 0 : i32
    %dma_wait3A_260 = tpu.memref_slice %arg6[%dma_wait3A_257, %dma_wait3A_259] : memref<4x128xf32, #tpu.memory_space<vmem>> -> memref<1x128xf32, #tpu.memory_space<vmem>>
    %dma_wait3A_261 = tpu.memref_squeeze %dma_wait3A_260 : memref<1x128xf32, #tpu.memory_space<vmem>> -> memref<128xf32, #tpu.memory_space<vmem>>
    %dma_wait3A_262 = arith.constant 0 : i32
    %dma_wait3A_263 = arith.constant 0 : i32
    %dma_wait3A_264 = tpu.memref_slice %arg4[%add3A, %dma_wait3A_262, %dma_wait3A_263] : memref<32x4x128xf32, #tpu.memory_space<hbm>> -> memref<1x4x128xf32, #tpu.memory_space<hbm>>
    %dma_wait3A_265 = tpu.memref_squeeze %dma_wait3A_264 : memref<1x4x128xf32, #tpu.memory_space<hbm>> -> memref<4x128xf32, #tpu.memory_space<hbm>>
    %dma_wait3A_266 = arith.constant 0 : i32
    %dma_wait3A_267 = tpu.memref_slice %dma_wait3A_265[%dma_wait3A_258, %dma_wait3A_266] : memref<4x128xf32, #tpu.memory_space<hbm>> -> memref<1x128xf32, #tpu.memory_space<hbm>>
    %dma_wait3A_268 = tpu.memref_squeeze %dma_wait3A_267 : memref<1x128xf32, #tpu.memory_space<hbm>> -> memref<128xf32, #tpu.memory_space<hbm>>
    %dma_wait3A_269 = arith.constant 0 : i32
    %dma_wait3A_270 = arith.constant 0 : i32
    %dma_wait3A_271 = tpu.memref_slice %arg4[%add3A, %dma_wait3A_269, %dma_wait3A_270] : memref<32x4x128xf32, #tpu.memory_space<hbm>> -> memref<1x4x128xf32, #tpu.memory_space<hbm>>
    %dma_wait3A_272 = tpu.memref_squeeze %dma_wait3A_271 : memref<1x4x128xf32, #tpu.memory_space<hbm>> -> memref<4x128xf32, #tpu.memory_space<hbm>>
    %dma_wait3A_273 = arith.constant 0 : i32
    %dma_wait3A_274 = tpu.memref_slice %dma_wait3A_272[%dma_wait3A_258, %dma_wait3A_273] : memref<4x128xf32, #tpu.memory_space<hbm>> -> memref<1x128xf32, #tpu.memory_space<hbm>>
    %dma_wait3A_275 = tpu.memref_squeeze %dma_wait3A_274 : memref<1x128xf32, #tpu.memory_space<hbm>> -> memref<128xf32, #tpu.memory_space<hbm>>
    %dma_wait3A_276 = arith.constant 0 : i32
    %dma_wait3A_277 = tpu.memref_slice %arg6[%dma_wait3A_257, %dma_wait3A_276] : memref<4x128xf32, #tpu.memory_space<vmem>> -> memref<1x128xf32, #tpu.memory_space<vmem>>
    %dma_wait3A_278 = tpu.memref_squeeze %dma_wait3A_277 : memref<1x128xf32, #tpu.memory_space<vmem>> -> memref<128xf32, #tpu.memory_space<vmem>>
    tpu.wait_dma2 semaphore(%arg8 : memref<!tpu.dma_semaphore, #tpu.memory_space<semaphore_mem>>) src(%dma_wait3A_278 : memref<128xf32, #tpu.memory_space<vmem>>) dst(%dma_wait3A_275 : memref<128xf32, #tpu.memory_space<hbm>>)
    return
  }
}

</mosaic_0001>

<sc_bundles>
// kernel: _sc_gather.3.cloned.1.call-start
scs
__scs_entry_jumppad:
0x0: {  	(pc) =	sbr.rel $0x88, $3  }
0x1: {  	(tag) =	ssettag $0x0;
	lr =	simm.s32 $0x1  }
0x2: {  	[smem:$0x3F9F] =	sst lr;
	_ =	strace $0xD0000000  }
0x3: {  	_ = 	snop  }
0x4: {  	_ = 	snop  }
0x5: {  	_ = 	snop  }
0x6: {  	_ = 	snop  }
0x7: {  	_ = 	snop  }
__scs_overlays_trampoline_lowered:
0x8: {  	[smem:$0x3FAE] =	sst s0  }
0x9: {  	[smem:$0x3FAF] =	sst s1  }
0xa: {  	[smem:$0x3FB0] =	sst s2  }
0xb: {  	[smem:$0x3FB1] =	sst s3  }
0xc: {  	[smem:$0x3FB2] =	sst s4  }
0xd: {  	[smem:$0x3FB3] =	sst s5  }
0xe: {  	[smem:$0x3FB4] =	sst s6  }
0xf: {  	[smem:$0x3FB5] =	sst s7  }
0x10: {  	[smem:$0x3FB6] =	sst s8  }
0x11: {  	[smem:$0x3FB7] =	sst s9;
	s0 =	simm.s32 @!p0 $0x0  }
0x12: {  	s1 =	sld [smem:$0x3F9D];
	s0 =	simm.s32 @p0 $0x1  }
0x13: {  	[smem:$0x3FB8] =	sst s0;
	s0 =	simm.s32 @!p1 $0x0  }
0x14: {  	s2 =	sld [smem:$0x3F9C];
	s0 =	simm.s32 @p1 $0x1  }
0x15: {  	[smem:$0x3FB9] =	sst s0;
	s0 =	simm.s32 @!p2 $0x0  }
0x16: {  	s3 =	sld [smem:$0x3FDB];
	s0 =	simm.s32 @p2 $0x1  }
0x17: {  	s4 =	simm.s32 $0x1BF5;
	[smem:$0x3FBB] =	sst s0  }
0x18: {  	s0 =	sld [smem:$0x3F9E];
	_ =	swait.ge [sflag:s4], $0x0  }
0x19: {  	s7 =	sld [smem:$0x3F9F]  }
0x1a: {  	s8 =	sadd.s32 $0xFFFFE003, lr  }
0x1b: {  	s9 =	sadd.s32 $0xFFFFFEF7, lr;
	s5 =	simm.s32 $0xFFFFFFFF;
	p2 =	slt.u32 s8, $0xFFFFF086  }
0x1c: {  	p1 =	slt.u32 s9, $0xF7A;
	s5 =	simm.s32 @!p2 $0x0  }
0x1d: {  	s5 =	simm.s32 @p1 $0x1;
	p0 =	seq.s32 s7, s2  }
0x1e: {  	s7 =	smul.u32 @!p0 $0xF7A, s2;
	p2 =	seq.s32 @!p0 s5, $0x0  }
0x1f: {  	s9 =	smul.u32 $0xF7A, s1;
	s8 =	simm.s32 @!p0 $0x1BF5;
	p2 =	por !p2, p0  }
0x20: {  	[sflag:s8] =	ssyncset.s32 @!p0 $0xFFFFF086;
	s6 =	sadd.s32 @!p0 s3, s7;
	s7 =	simm.s32 @!p0 $0x108  }
0x21: {  	s3 =	sadd.s32 s3, s9;
	s6 =	sadd.s32 @!p0 $0x88, s6;
	s7 =	simm.s32 @p2 $0x1082  }
0x22: {  	[simem:s7], [sflag:s8] =	dma.local @!p0 [hbm:s6], $0xF7A  }
0x23: {  	s9 =	sor.u32 $0xD0000000, s2;
	s6 =	simm.s32 $0x108;
	_ =	swait.ge @!p0 [sflag:s8], $0x0  }
0x24: {  	s3 =	sadd.s32 $0x88, s3;
	s6 =	simm.s32 @!p1 $0x1082;
	[sflag:s4] =	ssyncset.s32 $0xFFFFF086  }
0x25: {  	[simem:s6], [sflag:s4] =	dma.local [hbm:s3], $0xF7A  }
0x26: {  	[smem:$0x3F9F] =	sst s1;
	(tag) =	ssettag s2;
	_ =	strace s9  }
0x27: {  	s1 =	sld [smem:$0x3FAF]  }
0x28: {  	s2 =	sld [smem:$0x3FB0]  }
0x29: {  	s4 =	sld [smem:$0x3FB2]  }
0x2a: {  	p0 =	seq.s32 s5, $0x0;
	s5 =	sld [smem:$0x3FB3]  }
0x2b: {  	s6 =	sld [smem:$0x3FB4]  }
0x2c: {  	s7 =	sld [smem:$0x3FB5]  }
0x2d: {  	s3 =	simm.s32 $0x108;
	s8 =	sld [smem:$0x3FB6]  }
0x2e: {  	s3 =	simm.s32 @!p0 $0x1082;
	s9 =	sld [smem:$0x3FB7]  }
0x2f: {  	lr =	sadd.s32 s0, s3;
	s0 =	sld [smem:$0x3FAE]  }
0x30: {  	s3 =	sld [smem:$0x3FB1]  }
0x31: {  	[smem:$0x3FBA] =	sst s10  }
0x32: {  	s10 =	sld [smem:$0x3FB8];
	_ =	sdelay $0x3  }
0x33: {  	p0 =	seq.s32 s10, $0x1;
	s10 =	sld [smem:$0x3FBA];
	_ =	sdelay $0x3  }
0x34: {  	[smem:$0x3FBA] =	sst s10  }
0x35: {  	s10 =	sld [smem:$0x3FB9];
	_ =	sdelay $0x3  }
0x36: {  	p1 =	seq.s32 s10, $0x1;
	s10 =	sld [smem:$0x3FBA];
	_ =	sdelay $0x3  }
0x37: {  	[smem:$0x3FBA] =	sst s10  }
0x38: {  	s10 =	sld [smem:$0x3FBB]  }
0x39: {  	_ = 	snop;
	(pc) =	sbr.ind lr, $3  }
0x3a: {  	_ = 	snop  }
0x3b: {  	_ = 	snop  }
0x3c: {  	p2 =	seq.s32 s10, $0x1;
	s10 =	sld [smem:$0x3FBA]  }
0x3d: {  	_ =	shalt  }
0x3e: {  	_ =	shalt  }
0x3f: {  	_ =	shalt  }
0x40: {  	_ =	shalt  }
0x41: {  	_ =	shalt  }
0x42: {  	_ =	shalt  }
0x43: {  	_ =	shalt  }
0x44: {  	_ =	shalt  }
0x45: {  	_ =	shalt  }
0x46: {  	_ =	shalt  }
0x47: {  	_ =	shalt  }
0x48: {  	_ =	shalt  }
0x49: {  	_ =	shalt  }
0x4a: {  	_ =	shalt  }
0x4b: {  	_ =	shalt  }
0x4c: {  	_ =	shalt  }
0x4d: {  	_ =	shalt  }
0x4e: {  	_ =	shalt  }
0x4f: {  	_ =	shalt  }
0x50: {  	_ =	shalt  }
0x51: {  	_ =	shalt  }
0x52: {  	_ =	shalt  }
0x53: {  	_ =	shalt  }
0x54: {  	_ =	shalt  }
0x55: {  	_ =	shalt  }
0x56: {  	_ =	shalt  }
0x57: {  	_ =	shalt  }
0x58: {  	_ =	shalt  }
0x59: {  	_ =	shalt  }
0x5a: {  	_ =	shalt  }
0x5b: {  	_ =	shalt  }
0x5c: {  	_ =	shalt  }
0x5d: {  	_ =	shalt  }
0x5e: {  	_ =	shalt  }
0x5f: {  	_ =	shalt  }
0x60: {  	_ =	shalt  }
0x61: {  	_ =	shalt  }
0x62: {  	_ =	shalt  }
0x63: {  	_ =	shalt  }
0x64: {  	_ =	shalt  }
0x65: {  	_ =	shalt  }
0x66: {  	_ =	shalt  }
0x67: {  	_ =	shalt  }
0x68: {  	_ =	shalt  }
0x69: {  	_ =	shalt  }
0x6a: {  	_ =	shalt  }
0x6b: {  	_ =	shalt  }
0x6c: {  	_ =	shalt  }
0x6d: {  	_ =	shalt  }
0x6e: {  	_ =	shalt  }
0x6f: {  	_ =	shalt  }
0x70: {  	_ =	shalt  }
0x71: {  	_ =	shalt  }
0x72: {  	_ =	shalt  }
0x73: {  	_ =	shalt  }
0x74: {  	_ =	shalt  }
0x75: {  	_ =	shalt  }
0x76: {  	_ =	shalt  }
0x77: {  	_ =	shalt  }
0x78: {  	_ =	shalt  }
0x79: {  	_ =	shalt  }
0x7a: {  	_ =	shalt  }
0x7b: {  	_ =	shalt  }
0x7c: {  	_ =	shalt  }
0x7d: {  	_ =	shalt  }
0x7e: {  	_ =	shalt  }
0x7f: {  	_ =	shalt  }
0x80: {  	_ =	shalt  }
0x81: {  	_ =	shalt  }
0x82: {  	_ =	shalt  }
0x83: {  	_ =	shalt  }
0x84: {  	_ =	shalt  }
0x85: {  	_ =	shalt  }
0x86: {  	_ =	shalt  }
0x87: {  	_ =	shalt  }
.Lfunc_end0:
.L_simem_size_0:
called_computation_lowered:
.L_overlay_start_0:
0x88: {  	s2 =	sld [smem:$0x3FD9]  }
0x89: {  	s3 =	sld [smem:$0x3FFE];
	_ =	sdelay $0x1  }
0x8a: {  	s1 =	srdreg.scid  }
0x8b: {  	s0 =	sand.u32 $0x1, s1  }
0x8c: {  	s18 =	sshll.u32 s0, $0xA;
	s2 =	sadd.s32 s3, s2  }
0x8d: {  	s2 =	sadd.s32 s2, s18  }
0x8e: {  	[smem:$0x3FC6] =	sst s2  }
0x8f: {  	_ = 	snop  }
0x90: {  	s2 =	sld [smem:$0x3FC9]  }
0x91: {  	s19 =	sld [smem:$0x3FC8]  }
0x92: {  	s4 =	sld [smem:$0x3FD0];
	(tm) =	ssettm $0x1  }
0x93: {  	s5 =	sld [smem:$0x3FFB];
	_ =	sdelay $0x3  }
0x94: {  	_ =	strace s5  }
0x95: {  	s5 =	sld [smem:$0x3FFC];
	_ =	sdelay $0x3  }
0x96: {  	_ =	strace s5  }
0x97: {  	s5 =	sld [smem:$0x3FFD];
	_ =	sdelay $0x3  }
0x98: {  	_ =	strace s5  }
0x99: {  	_ =	strace $0x8FFFFFFF  }
0x9a: {  	s20 =	sld [smem:$0x3FDB];
	_ =	sdelay $0x1  }
0x9b: {  	s6 =	simm.s32 $_scs_section_size  }
0x9c: {  	s7 =	simm.s32 $_size__tile_overlayer_lowered;
	s8 =	simm.s32 $_tile_overlayer_lowered  }
0x9d: {  	s23 =	simm.s32 $0x1BFF;
	s22 =	sshll.u32 s8, $0x1;
	s5 =	sadd.s32 s6, s20  }
0x9e: {  	s9 =	simm.s32 $0x0;
	s21 =	sshll.u32 s7, $0x1;
	s7 =	sadd.s32 s22, s5  }
0x9f: {  	[timem:s9], [sflag:s23] =	dma.local [hbm:s7], s21  }
0xa0: {  	_ =	swait.ge [sflag:s23], s21  }
0xa1: {  	s6 =	ssub.s32 $0x0, s21;
	[sflag:s23] =	ssyncset.done $0x0  }
0xa2: {  	[sflag:s23] =	ssyncadd.s32 s6;
	_ =	sdelay $0x1  }
0xa3: {  	s24 =	simm.s32 $0x1B8B  }
0xa4: {  	_ =	swait.ge [sflag:s24], $0x1  }
0xa5: {  	[sflag:s24] =	ssyncset.done $0x0  }
0xa6: {  	s25 =	simm.s32 $0x1B8E;
	[sflag:s24] =	ssyncadd.s32 $0xFFFFFFFF  }
0xa7: {  	s26 =	simm.s32 $execute0_lowered;
	[smem:$0x3FD2] =	sst s25  }
0xa8: {  	s6 =	sshll.u32 s26, $0x1;
	_ =	strace $0x80000046;
	[dreg:$0x1] =	wrdreg $0xFFFFFFFF  }
0xa9: {  	s28 =	simm.s32 $_size_execute0_lowered;
	s5 =	sadd.s32 s5, s6;
	[dreg:$0x0] =	wrdreg $0x0  }
0xaa: {  	s6 =	sshll.u32 s28, $0x1;
	[dreg:$0x2] =	wrdreg s5  }
0xab: {  	[dreg:$0x3] =	wrdreg s6  }
0xac: {  	[dreg:$0x4] =	wrdreg $0xC0  }
0xad: {  	_ =	task [dreg:s9], $0x5FFFF  }
0xae: {  	[dreg:$0x1] =	wrdreg $0xFFFFFFFF  }
0xaf: {  	[dreg:$0x0] =	wrdreg $0x60  }
0xb0: {  	[dreg:$0x2] =	wrdreg s2  }
0xb1: {  	[dreg:$0x3] =	wrdreg s19  }
0xb2: {  	[dreg:$0x4] =	wrdreg s4  }
0xb3: {  	[dreg:$0x5] =	wrdreg $0x9  }
0xb4: {  	_ =	task.clear_ibuf [dreg:s9], $0x6FFFF;
	_ =	strace $0x90000046  }
0xb5: {  	s29 =	simm.s32 $0x9;
	_ =	strace $0x80000048  }
0xb6: {  	_ =	swait.ge [sflag:s29], $0x1  }
0xb7: {  	[sflag:s29] =	ssyncadd.s32 $0xFFFFFFFF  }
0xb8: {  	_ =	strace $0x90000048  }
0xb9: {  	_ =	sfence  }
0xba: {  	s30 =	sld [smem:$0x0];
	_ =	sdelay $0x2  }
0xbb: {  	s31 =	sshll.u32 s1, $0xD;
	s1 =	sshrl.u32 s1, $0x2  }
0xbc: {  	s3 =	sand.u32 $0x4000, s31;
	s1 =	sadd.s32 s1, s30  }
0xbd: {  	s0 =	sor.u32 s3, s0;
	s1 =	sshll.u32 s1, $0x11  }
0xbe: {  	s0 =	sor.u32 s1, s0  }
0xbf: {  	s0 =	sadd.s32 $0x8F2B, s0  }
0xc0: {  	[sflag:s0] =	ssyncadd.remote.s32 $0x1  }
0xc1: {  	_ =	sfence.sel $0xFFFF  }
0xc2: {  	[dreg:$0x0] =	wrdreg $0xFFFFFFFF;
	(pc) =	sbr.abs _section_cstart, $3  }
0xc3: {  	[dreg:$0x1] =	wrdreg $0xFFFFFFFF  }
0xc4: {  	_ =	task.clear_ibuf [dreg:s9], $0x2FFFF;
	_ =	strace $0x9FFFFFFF  }
0xc5: {  	(tm) =	ssettm $0x7FFFFFFF  }
tec
execute0_lowered:
.L_overlay_start_1:
0x0: {  	(tag) =	ssettag $0x1  }
0x1: {  	s4 =	rddreg [dreg:$0x0]  }
0x2: {  	s2 =	rddreg [dreg:$0x1]  }
0x3: {  	s14 =	rddreg [dreg:$0x2];
	s3 =	srdreg.scid  }
0x4: {  	s0 =	rddreg [dreg:$0x3];
	s1 =	stileid.u32;
	s22 =	sand.u32 $0x1, s3  }
0x5: {  	s3 =	simm.s32 $0x0;
	s5 =	sshll.u32 s1, $0x7;
	s6 =	sshll.u32 s22, $0x6  }
0x6: {  	[smem:$0x7FF] =	sst s3;
	s15 =	sor.u32 s6, s5  }
0x7: {  	_ =	strace $0x80000047;
	s5 =	simm.s32 $0x6;
	s4 =	sadd.s32 s4, s15  }
0x8: {  	[tilespmem:s3], [sflag:$0x6] =	stream.linear.gather [hbm4b:s4+s3], $0x200, $0x38;
	[tilespmem:$0x400] =	vst v63  }
0x9: {  	_ =	swait.ge [sflag:s5], $0x200  }
0xa: {  	[sflag:s5] =	ssyncset.done $0x0  }
0xb: {  	s7 =	simm.s32 $0x200;
	s6 =	simm.s32 $0x80;
	[sflag:s5] =	ssyncadd.s32 $0xFFFFFE00  }
0xc: {  	[tilespmem:s7], [sflag:$0x1] =	stream.indirect.gather [hbm4b:s2+s6], $0x1, s3, s6, $0xb8;
	[tilespmem:$0x400] =	vst v63  }
0xd: {  	s8 =	simm.s32 $0x280  }
0xe: {  	[tilespmem:s8], [sflag:$0x2] =	stream.indirect.gather [hbm4b:s2+s6], $0x1, s6, s6, $0xb8;
	[tilespmem:$0x400] =	vst v63  }
0xf: {  	s9 =	simm.s32 $0x100;
	s10 =	simm.s32 $0x300  }
0x10: {  	[tilespmem:s10], [sflag:$0x3] =	stream.indirect.gather [hbm4b:s2+s6], $0x1, s9, s6, $0xb8;
	[tilespmem:$0x400] =	vst v63  }
0x11: {  	s11 =	simm.s32 $0x180;
	s12 =	simm.s32 $0x380;
	s13 =	simm.s32 $0x1  }
0x12: {  	[tilespmem:s12], [sflag:$0x4] =	stream.indirect.gather [hbm4b:s2+s6], $0x1, s11, s6, $0xb8;
	[tilespmem:$0x400] =	vst v63  }
0x13: {  	_ =	swait.ge [sflag:s13], $0x80  }
0x14: {  	[sflag:s13] =	ssyncset.done $0x0  }
0x15: {  	s14 =	sadd.s32 s14, s15;
	s15 =	simm.s32 $0x2;
	[sflag:s13] =	ssyncadd.s32 $0xFFFFFF80  }
0x16: {  	[hbm4b:s14+s3] =	stream.linear.scatter [tilespmem:s7], [sflag:$0x5], $0x80, $0x38;
	[tilespmem:$0x400] =	vst v63  }
0x17: {  	_ =	swait.ge [sflag:s15], $0x80  }
0x18: {  	[sflag:s15] =	ssyncset.done $0x0  }
0x19: {  	s17 =	simm.s32 $0x3;
	s16 =	sadd.s32 $0x10, s14;
	[sflag:s15] =	ssyncadd.s32 $0xFFFFFF80  }
0x1a: {  	[hbm4b:s16+s3] =	stream.linear.scatter [tilespmem:s8], [sflag:$0x5], $0x80, $0x38;
	[tilespmem:$0x400] =	vst v63  }
0x1b: {  	_ =	swait.ge [sflag:s17], $0x80  }
0x1c: {  	[sflag:s17] =	ssyncset.done $0x0  }
0x1d: {  	s19 =	simm.s32 $0x4;
	s18 =	sadd.s32 $0x20, s14;
	[sflag:s17] =	ssyncadd.s32 $0xFFFFFF80  }
0x1e: {  	[hbm4b:s18+s3] =	stream.linear.scatter [tilespmem:s10], [sflag:$0x5], $0x80, $0x38;
	[tilespmem:$0x400] =	vst v63  }
0x1f: {  	_ =	swait.ge [sflag:s19], $0x80  }
0x20: {  	[sflag:s19] =	ssyncset.done $0x0  }
0x21: {  	s20 =	simm.s32 $0x5;
	s21 =	sadd.s32 $0x30, s14;
	[sflag:s19] =	ssyncadd.s32 $0xFFFFFF80  }
0x22: {  	[hbm4b:s21+s3] =	stream.linear.scatter [tilespmem:s12], [sflag:$0x5], $0x80, $0x38;
	[tilespmem:$0x400] =	vst v63  }
0x23: {  	_ =	swait.ge [sflag:s20], $0x80  }
0x24: {  	s22 =	ssub.s32 $0x2, s22;
	[sflag:s20] =	ssyncset.done $0x0  }
0x25: {  	s23 =	sshrl.u32 s22, $0x1;
	[sflag:s20] =	ssyncadd.s32 $0xFFFFFF80  }
0x26: {  	s22 =	ssub.s32 s22, s23;
	_ =	swait.ge [sflag:s20], $0x80  }
0x27: {  	s22 =	smax.u32 s22, $0x1;
	[sflag:s20] =	ssyncset.done $0x0  }
0x28: {  	p0 =	sne.s32 s22, $0x1;
	[sflag:s20] =	ssyncadd.s32 $0xFFFFFF80  }
.Ltmp0:
0x29: {  	_ =	swait.ge [sflag:s20], $0x80;
	(pc) =	sbr.rel @!p0 .LBB2_2-.Ltmp0, $4  }
0x2a: {  	[sflag:s20] =	ssyncset.done $0x0  }
0x2b: {  	[sflag:s20] =	ssyncadd.s32 $0xFFFFFF80  }
0x2c: {  	_ =	swait.ge [sflag:s20], $0x80  }
0x2d: {  	s22 =	sadd.s32 $0xFFFFFFFF, s22;
	[sflag:s20] =	ssyncset.done $0x0  }
.LBB2_1:
0x2e: {  	p0 =	sne.s32 s22, $0x1;
	s22 =	sadd.s32 $0xFFFFFFFF, s22;
	[sflag:s20] =	ssyncadd.s32 $0xFFFFFF80  }
0x2f: {  	[tilespmem:s3], [sflag:$0x6] =	stream.linear.gather [hbm4b:s4+s3], $0x200, $0x38;
	[tilespmem:$0x400] =	vst v63  }
0x30: {  	_ =	swait.ge [sflag:s5], $0x200  }
0x31: {  	[sflag:s5] =	ssyncset.done $0x0  }
0x32: {  	[sflag:s5] =	ssyncadd.s32 $0xFFFFFE00  }
0x33: {  	[tilespmem:s7], [sflag:$0x1] =	stream.indirect.gather [hbm4b:s2+s6], $0x1, s3, s6, $0xb8;
	[tilespmem:$0x400] =	vst v63  }
0x34: {  	_ = 	snop  }
0x35: {  	[tilespmem:s8], [sflag:$0x2] =	stream.indirect.gather [hbm4b:s2+s6], $0x1, s6, s6, $0xb8;
	[tilespmem:$0x400] =	vst v63  }
0x36: {  	_ = 	snop  }
0x37: {  	[tilespmem:s10], [sflag:$0x3] =	stream.indirect.gather [hbm4b:s2+s6], $0x1, s9, s6, $0xb8;
	[tilespmem:$0x400] =	vst v63  }
0x38: {  	_ = 	snop  }
0x39: {  	[tilespmem:s12], [sflag:$0x4] =	stream.indirect.gather [hbm4b:s2+s6], $0x1, s11, s6, $0xb8;
	[tilespmem:$0x400] =	vst v63  }
0x3a: {  	_ =	swait.ge [sflag:s13], $0x80  }
0x3b: {  	[sflag:s13] =	ssyncset.done $0x0  }
0x3c: {  	[sflag:s13] =	ssyncadd.s32 $0xFFFFFF80  }
0x3d: {  	[hbm4b:s14+s3] =	stream.linear.scatter [tilespmem:s7], [sflag:$0x5], $0x80, $0x38;
	[tilespmem:$0x400] =	vst v63  }
0x3e: {  	_ =	swait.ge [sflag:s15], $0x80  }
0x3f: {  	[sflag:s15] =	ssyncset.done $0x0  }
0x40: {  	[sflag:s15] =	ssyncadd.s32 $0xFFFFFF80  }
0x41: {  	[hbm4b:s16+s3] =	stream.linear.scatter [tilespmem:s8], [sflag:$0x5], $0x80, $0x38;
	[tilespmem:$0x400] =	vst v63  }
0x42: {  	_ =	swait.ge [sflag:s17], $0x80  }
0x43: {  	[sflag:s17] =	ssyncset.done $0x0  }
0x44: {  	[sflag:s17] =	ssyncadd.s32 $0xFFFFFF80  }
0x45: {  	[hbm4b:s18+s3] =	stream.linear.scatter [tilespmem:s10], [sflag:$0x5], $0x80, $0x38;
	[tilespmem:$0x400] =	vst v63  }
0x46: {  	_ =	swait.ge [sflag:s19], $0x80  }
0x47: {  	[sflag:s19] =	ssyncset.done $0x0  }
0x48: {  	[sflag:s19] =	ssyncadd.s32 $0xFFFFFF80  }
0x49: {  	[hbm4b:s21+s3] =	stream.linear.scatter [tilespmem:s12], [sflag:$0x5], $0x80, $0x38;
	[tilespmem:$0x400] =	vst v63  }
0x4a: {  	_ =	swait.ge [sflag:s20], $0x80  }
0x4b: {  	[sflag:s20] =	ssyncset.done $0x0  }
0x4c: {  	[sflag:s20] =	ssyncadd.s32 $0xFFFFFF80  }
0x4d: {  	_ =	swait.ge [sflag:s20], $0x80  }
0x4e: {  	[sflag:s20] =	ssyncset.done $0x0  }
0x4f: {  	[sflag:s20] =	ssyncadd.s32 $0xFFFFFF80  }
.Ltmp1:
0x50: {  	_ =	swait.ge [sflag:s20], $0x80;
	(pc) =	sbr.rel @p0 .LBB2_1-.Ltmp1, $4  }
0x51: {  	[sflag:s20] =	ssyncset.done $0x0  }
0x52: {  	[sflag:s20] =	ssyncadd.s32 $0xFFFFFF80  }
0x53: {  	_ =	swait.ge [sflag:s20], $0x80  }
0x54: {  	[sflag:s20] =	ssyncset.done $0x0  }
.LBB2_2:
0x55: {  	[sflag:s20] =	ssyncadd.s32 $0xFFFFFF80  }
0x56: {  	_ =	sfence.sel $0x180000  }
0x57: {  	[bflag:$0x0] =	sbarrier.arrive $0xFFFF  }
0x58: {  	p0 =	sne.s32 s1, $0x0;
	_ =	strace $0x90000047  }
0x59: {  	s0 =	sadd.s32 @!p0 $0x100000, s0;
	[bflag:$0x2] =	sbarrier.arrive $0xFFFF  }
0x5a: {  	[sflag:s0] =	ssyncadd.tile.s32 @!p0 $0x1;
	_ =	shalt  }
.Lfunc_end2:
_tile_overlayer_lowered:
.L_overlay_start_2:
0x5b: {  	(tag) =	ssettag $0x2  }
0x5c: {  	s0 =	rddreg [dreg:$0x0];
	s2 =	stileid.u32  }
0x5d: {  	s1 =	rddreg [dreg:$0x1];
	p0 =	sne.s32 s2, $0x0  }
0x5e: {  	s3 =	rddreg [dreg:$0x2];
	[bflag:$0x3] =	sbarrier.arrive $0xFFFF;
	s2 =	simm.s32 @!p0 $0x1C06  }
0x5f: {  	[timem:s3], [sflag:s2] =	dma.local @!p0 [hbm:s0], s1  }
0x60: {  	s0 =	simm.s32 @!p0 $0x6  }
0x61: {  	_ =	swait.ge @!p0 [sflag:s0], s1  }
0x62: {  	s1 =	ssub.s32 @!p0 $0x0, s1;
	[sflag:s0] =	ssyncset.done @!p0 $0x0  }
0x63: {  	[sflag:s0] =	ssyncadd.s32 @!p0 s1  }
0x64: {  	[bflag:$0x3] =	sbarrier.arrive $0xFFFF  }
0x65: {  	_ =	shalt  }

</sc_bundles>
